<compile_context>
chip_gen: v7x
topology: tpu7x:2x2x1
jax: 0.10.2.dev20260603
libtpu: 0.0.44.dev20260713+nightly
codegen_flags: <defaults>
</compile_context>

<pallas_src>
import math

import jax
import jax.numpy as jnp
import numpy as np
from jax import lax
from jax.experimental import pallas as pl
from jax.experimental.pallas import tpu as pltpu
from jax.experimental.pallas import tpu_sc as plsc

EMBED_DIM = 256
SEQ_LEN = 2048
BATCH = 64
PEAK_PAD = 64
MASK_LANES = 128
SBLK = 128
NBLK = SEQ_LEN // SBLK
HEAD_BLKS = 1

NUM_CORES = 2
NUM_SUBCORES = 16
NUM_TILES = NUM_CORES * NUM_SUBCORES
ROWS_PER_TILE = SEQ_LEN // NUM_TILES
WORDS_PER_TILE = ROWS_PER_TILE * MASK_LANES
NCHUNK = BATCH * PEAK_PAD // 16
CHUNKS_PER_ROW = PEAK_PAD // 16


def _pe_const(max_len, dim):
    position = np.arange(0, max_len, dtype=np.float32)[:, None]
    div_term = np.exp(
        np.arange(0, dim, 2, dtype=np.float32) * (-math.log(1000.0) / dim))
    pe = np.zeros((max_len, dim), dtype=np.float32)
    pe[:, 0::2] = np.sin(position * div_term)
    pe[:, 1::2] = np.cos(position * div_term)
    return jnp.asarray(pe)



def _sc_mask_body(tgt_hbm, zeros_hbm, mask_hbm, tgt_v, mask_v, sem1, sem2):
    wid = lax.axis_index("s") * NUM_CORES + lax.axis_index("c")
    row_lo = wid * ROWS_PER_TILE
    lo = row_lo * MASK_LANES
    cp1 = pltpu.async_copy(tgt_hbm, tgt_v, sem1)
    cp2 = pltpu.async_copy(zeros_hbm, mask_v, sem2)
    cp1.wait()
    cp2.wait()

    ones16 = jnp.ones((16,), jnp.float32)

    @plsc.parallel_loop(0, NCHUNK, unroll=4)
    def _(c):
        b = lax.shift_right_logical(c, 2)
        off = lax.bitwise_and(c, CHUNKS_PER_ROW - 1) * 16
        local = tgt_v[b, pl.ds(off, 16)] - lo
        valid = (local >= 0) & (local < WORDS_PER_TILE)
        row = lax.shift_right_logical(local, 7)
        col = lax.bitwise_and(local, MASK_LANES - 1)
        plsc.store_scatter(mask_v, [row, col], ones16, mask=valid)
    pltpu.sync_copy(mask_v, mask_hbm.at[pl.ds(row_lo, ROWS_PER_TILE), :])


def _sc_mask(targets, zeros):
    mesh = plsc.VectorSubcoreMesh(
        core_axis_name="c", subcore_axis_name="s", num_cores=NUM_CORES)
    run = pl.kernel(
        _sc_mask_body,
        mesh=mesh,
        out_type=jax.ShapeDtypeStruct((SEQ_LEN, MASK_LANES), jnp.float32),
        scratch_types=[
            pltpu.VMEM((BATCH, PEAK_PAD), jnp.int32),
            pltpu.VMEM((ROWS_PER_TILE, MASK_LANES), jnp.float32),
            pltpu.SemaphoreType.DMA,
            pltpu.SemaphoreType.DMA,
        ],
        compiler_params=pltpu.CompilerParams(needs_layout_passes=False),
    )
    return run(targets, zeros)



def _tc_head_body(peaks_ref, x_ref, pe_ref, tab_ref, out_ref):
    i = pl.program_id(0)
    s_ids = jax.lax.broadcasted_iota(jnp.int32, (SBLK, 1, 1), 0) + i * SBLK
    peaks = peaks_ref[...]
    mask = jnp.any(peaks[None, :, :] == s_ids, axis=2)
    out_ref[...] = (
        x_ref[...]
        + pe_ref[...][:, None, :]
        + mask[:, :, None].astype(jnp.float32) * tab_ref[...][:, None, :]
    )


def _tc_head(x, pe, table, peaks):
    seq, batch, dim = x.shape
    return pl.pallas_call(
        _tc_head_body,
        grid=(HEAD_BLKS,),
        in_specs=[
            pl.BlockSpec((BATCH, PEAK_PAD), lambda i: (0, 0)),
            pl.BlockSpec((SBLK, BATCH, EMBED_DIM), lambda i: (i, 0, 0)),
            pl.BlockSpec((SBLK, EMBED_DIM), lambda i: (i, 0)),
            pl.BlockSpec((SBLK, EMBED_DIM), lambda i: (i, 0)),
        ],
        out_specs=pl.BlockSpec((SBLK, BATCH, EMBED_DIM), lambda i: (i, 0, 0)),
        out_shape=jax.ShapeDtypeStruct((seq, batch, dim), jnp.float32),
    )(peaks, x, pe, table)


def _tc_tail_body(partial_ref, x_ref, pe_ref, tab_ref, mask_ref, out_ref):
    del partial_ref
    mask = mask_ref[...][:, :BATCH]
    out_ref[...] = (
        x_ref[...]
        + pe_ref[...][:, None, :]
        + mask[:, :, None] * tab_ref[...][:, None, :]
    )


def _tc_tail(partial, x, pe, table, mask):
    seq, batch, dim = x.shape
    h = HEAD_BLKS
    return pl.pallas_call(
        _tc_tail_body,
        grid=(NBLK - HEAD_BLKS,),
        in_specs=[
            pl.BlockSpec(memory_space=pl.ANY),
            pl.BlockSpec((SBLK, BATCH, EMBED_DIM), lambda i: (i + h, 0, 0)),
            pl.BlockSpec((SBLK, EMBED_DIM), lambda i: (i + h, 0)),
            pl.BlockSpec((SBLK, EMBED_DIM), lambda i: (i + h, 0)),
            pl.BlockSpec((SBLK, MASK_LANES), lambda i: (i + h, 0)),
        ],
        out_specs=pl.BlockSpec((SBLK, BATCH, EMBED_DIM), lambda i: (i + h, 0, 0)),
        out_shape=jax.ShapeDtypeStruct((seq, batch, dim), jnp.float32),
        input_output_aliases={0: 0},
    )(partial, x, pe, table, mask)


@jax.jit
def _run(x, targets, zeros, peaks, table, pe):
    mask = _sc_mask(targets, zeros)
    head = _tc_head(x, pe, table, peaks)
    return _tc_tail(head, x, pe, table, mask)


def kernel(x, peak_positions, table):
    seq, batch, dim = x.shape
    pe = _pe_const(seq, dim)
    pp = peak_positions.astype(jnp.int32)
    peaks = jnp.pad(
        pp, ((0, 0), (0, PEAK_PAD - pp.shape[1])), constant_values=-1)
    valid = (peaks >= 0) & (peaks < seq)
    raw = peaks * MASK_LANES + jnp.arange(batch, dtype=jnp.int32)[:, None]
    targets = jnp.where(valid, raw, jnp.int32(2**30))
    zeros = jnp.asarray(np.zeros((ROWS_PER_TILE, MASK_LANES), np.float32))
    return _run(x, targets, zeros, peaks, table, pe)

# --- scband reference (transcript-rebuilt; emitter-appended) ---
"""Pipeline reference for scband-pewith-peak-15934328668242 (READ-ONLY COPY).

The authoritative reference and input builder live on the scoring server;
editing this copy changes nothing except your own understanding.
"""

import jax, jax.numpy as jnp
import numpy as np
import math

EMBED_DIM = 256
MAX_LEN = 2048
SEQ_LEN = 2048
BATCH = 64
NUM_PEAKS = 50


def _make_pe(max_len, dim):
    position = jnp.arange(0, max_len, dtype=jnp.float32)[:, None]
    div_term = jnp.exp(jnp.arange(0, dim, 2, dtype=jnp.float32) * (-math.log(1000.0) / dim))
    pe = jnp.zeros((max_len, dim), dtype=jnp.float32)
    pe = pe.at[:, 0::2].set(jnp.sin(position * div_term))
    pe = pe.at[:, 1::2].set(jnp.cos(position * div_term))
    # unsqueeze(0).transpose(0,1) -> [max_len, 1, dim]
    return pe[:, None, :]


def setup_inputs(seed: int = 0) -> dict:
    key = jax.random.key(seed)
    k1, k2, k3 = jax.random.split(key, 3)
    x = jax.random.normal(k1, (SEQ_LEN, BATCH, EMBED_DIM), dtype=jnp.float32)
    peak_positions = jax.random.randint(k2, (BATCH, NUM_PEAKS), 0, MAX_LEN, dtype=jnp.int64 if jax.config.jax_enable_x64 else jnp.int32)
    table = jax.random.normal(k3, (MAX_LEN, EMBED_DIM), dtype=jnp.float32)
    return {"x": x, "peak_positions": peak_positions, "table": table}


def reference(x, peak_positions, table):
    seq_len, batch_size, dim = x.shape
    pe = _make_pe(MAX_LEN, dim)
    x = x + pe[:seq_len, :]
    # valid peaks: 0 <= pos < seq_len
    valid = (peak_positions >= 0) & (peak_positions < seq_len)
    # route invalid positions out-of-bounds so scatter mode='drop' ignores them
    pos_safe = jnp.where(valid, peak_positions, seq_len)
    embeddings = jnp.take(table, jnp.clip(peak_positions, 0, MAX_LEN - 1), axis=0)  # [B, P, D]
    batch_idx = jnp.broadcast_to(jnp.arange(batch_size)[:, None], pos_safe.shape)
    peak_embed = jnp.zeros_like(x)
    # overwrite semantics like torch advanced-index assignment; duplicates write same value
    peak_embed = peak_embed.at[pos_safe, batch_idx].set(embeddings, mode="drop")
    return x + peak_embed

if __name__ == "__main__":
    import jax
    _d = setup_inputs()
    print(jax.jit(kernel)(*tuple(_d.values())))

</pallas_src>

<mosaic_0001>
#map = affine_map<(d0, d1) -> (0, 0)>
module attributes {stable_mosaic.version = 14 : i64} {
  func.func @_sc_mask_body(%arg0: i32, %arg1: i32, %arg2: memref<64x64xi32, #tpu.memory_space<hbm>>, %arg3: memref<64x128xf32, #tpu.memory_space<hbm>>, %arg4: memref<2048x128xf32, #tpu.memory_space<hbm>>, %arg5: memref<64x64xi32, #tpu.memory_space<vmem>>, %arg6: memref<64x128xf32, #tpu.memory_space<vmem>>, %arg7: memref<!tpu.dma_semaphore, #tpu.memory_space<semaphore_mem>>, %arg8: memref<!tpu.dma_semaphore, #tpu.memory_space<semaphore_mem>>) attributes {dimension_semantics = [#tpu.dimension_semantics<core_parallel>, #tpu.dimension_semantics<subcore_parallel>], iteration_bounds = array<i64: 2, 16>, scalar_prefetch = 0 : i64, scratch_operands = 4 : i64, tpu.core_type = #tpu.core_type<sc_vector_subcore>, window_params = [{transform_indices = #map}, {transform_indices = #map}, {transform_indices = #map}]} {
    %mul3A = arith.constant 2 : i32
    %mul3A_0 = arith.muli %arg1, %mul3A : i32
    %add3A = arith.addi %mul3A_0, %arg0 : i32
    %mul3A_1 = arith.constant 64 : i32
    %mul3A_2 = arith.muli %add3A, %mul3A_1 : i32
    %mul3A_3 = arith.constant 128 : i32
    %mul3A_4 = arith.muli %mul3A_2, %mul3A_3 : i32
    tpu.enqueue_dma source(%arg2 : memref<64x64xi32, #tpu.memory_space<hbm>>) target(%arg5 : memref<64x64xi32, #tpu.memory_space<vmem>>) target_semaphore(%arg7 : memref<!tpu.dma_semaphore, #tpu.memory_space<semaphore_mem>>)
    tpu.enqueue_dma source(%arg3 : memref<64x128xf32, #tpu.memory_space<hbm>>) target(%arg6 : memref<64x128xf32, #tpu.memory_space<vmem>>) target_semaphore(%arg8 : memref<!tpu.dma_semaphore, #tpu.memory_space<semaphore_mem>>)
    tpu.wait_dma2 semaphore(%arg7 : memref<!tpu.dma_semaphore, #tpu.memory_space<semaphore_mem>>) src(%arg2 : memref<64x64xi32, #tpu.memory_space<hbm>>) dst(%arg5 : memref<64x64xi32, #tpu.memory_space<vmem>>)
    tpu.wait_dma2 semaphore(%arg8 : memref<!tpu.dma_semaphore, #tpu.memory_space<semaphore_mem>>) src(%arg3 : memref<64x128xf32, #tpu.memory_space<hbm>>) dst(%arg6 : memref<64x128xf32, #tpu.memory_space<vmem>>)
    %broadcast_in_dim3A = arith.constant 1.000000e+00 : f32
    %broadcast_in_dim3A_5 = vector.broadcast %broadcast_in_dim3A : f32 to vector<16xf32>
    %parallel_loop3A = arith.constant 0 : i32
    %parallel_loop3A_6 = arith.constant 256 : i32
    %parallel_loop3A_7 = arith.constant 1 : i32
    scf.for %parallel_loop3A_8 = %parallel_loop3A to %parallel_loop3A_6 step %parallel_loop3A_7  : i32 {
      %parallel_loop3A_9 = arith.constant 2 : i32
      %parallel_loop3A_10 = arith.shrui %parallel_loop3A_8, %parallel_loop3A_9 : i32
      %parallel_loop3A_11 = arith.constant 3 : i32
      %parallel_loop3A_12 = arith.andi %parallel_loop3A_8, %parallel_loop3A_11 : i32
      %parallel_loop3A_13 = arith.constant 16 : i32
      %parallel_loop3A_14 = arith.muli %parallel_loop3A_12, %parallel_loop3A_13 : i32
      %parallel_loop3A_15 = arith.index_cast %parallel_loop3A_10 : i32 to index
      %parallel_loop3A_16 = arith.index_cast %parallel_loop3A_14 : i32 to index
      %parallel_loop3A_17 = tpu.vector_load %arg5[%parallel_loop3A_15, %parallel_loop3A_16] {strides = array<i32>} : memref<64x64xi32, #tpu.memory_space<vmem>>, vector<16xi32>,
      %parallel_loop3A_18 = vector.broadcast %mul3A_4 : i32 to vector<16xi32>
      %parallel_loop3A_19 = arith.subi %parallel_loop3A_17, %parallel_loop3A_18 : vector<16xi32>
      %parallel_loop3A_20 = arith.constant 0 : i32
      %parallel_loop3A_21 = vector.broadcast %parallel_loop3A_20 : i32 to vector<16xi32>
      %parallel_loop3A_22 = arith.cmpi sge, %parallel_loop3A_19, %parallel_loop3A_21 : vector<16xi32>
      %parallel_loop3A_23 = arith.constant 8192 : i32
      %parallel_loop3A_24 = vector.broadcast %parallel_loop3A_23 : i32 to vector<16xi32>
      %parallel_loop3A_25 = arith.cmpi slt, %parallel_loop3A_19, %parallel_loop3A_24 : vector<16xi32>
      %parallel_loop3A_26 = arith.andi %parallel_loop3A_22, %parallel_loop3A_25 : vector<16xi1>
      %parallel_loop3A_27 = arith.constant 7 : i32
      %parallel_loop3A_28 = vector.broadcast %parallel_loop3A_27 : i32 to vector<16xi32>
      %parallel_loop3A_29 = arith.shrui %parallel_loop3A_19, %parallel_loop3A_28 : vector<16xi32>
      %parallel_loop3A_30 = arith.constant 127 : i32
      %parallel_loop3A_31 = vector.broadcast %parallel_loop3A_30 : i32 to vector<16xi32>
      %parallel_loop3A_32 = arith.andi %parallel_loop3A_19, %parallel_loop3A_31 : vector<16xi32>
      tpu.vector_store_idx %arg6[%parallel_loop3A_29, %parallel_loop3A_32], %broadcast_in_dim3A_5 masked %parallel_loop3A_26 : memref<64x128xf32, #tpu.memory_space<vmem>>[vector<16xi32>, vector<16xi32>], vector<16xf32>, vector<16xi1>
    } {sc.loop_unroll_factor = 4 : i64, sc.parallel_access}
    "tpu.region"() ({
      %run_scoped3A = tpu.sem_alloc : memref<!tpu.dma_semaphore, #tpu.memory_space<semaphore_mem>>
      %dma_start3A = arith.constant 0 : i32
      %dma_start3A_8 = tpu.memref_slice %arg4[%mul3A_2, %dma_start3A] : memref<2048x128xf32, #tpu.memory_space<hbm>> -> memref<64x128xf32, #tpu.memory_space<hbm>>
      %dma_start3A_9 = arith.constant 0 : i32
      %dma_start3A_10 = tpu.memref_slice %arg4[%mul3A_2, %dma_start3A_9] : memref<2048x128xf32, #tpu.memory_space<hbm>> -> memref<64x128xf32, #tpu.memory_space<hbm>>
      tpu.enqueue_dma source(%arg6 : memref<64x128xf32, #tpu.memory_space<vmem>>) target(%dma_start3A_10 : memref<64x128xf32, #tpu.memory_space<hbm>>) target_semaphore(%run_scoped3A : memref<!tpu.dma_semaphore, #tpu.memory_space<semaphore_mem>>)
      %dma_wait3A = arith.constant 0 : i32
      %dma_wait3A_11 = tpu.memref_slice %arg4[%mul3A_2, %dma_wait3A] : memref<2048x128xf32, #tpu.memory_space<hbm>> -> memref<64x128xf32, #tpu.memory_space<hbm>>
      %dma_wait3A_12 = arith.constant 0 : i32
      %dma_wait3A_13 = tpu.memref_slice %arg4[%mul3A_2, %dma_wait3A_12] : memref<2048x128xf32, #tpu.memory_space<hbm>> -> memref<64x128xf32, #tpu.memory_space<hbm>>
      tpu.wait_dma2 semaphore(%run_scoped3A : memref<!tpu.dma_semaphore, #tpu.memory_space<semaphore_mem>>) src(%arg6 : memref<64x128xf32, #tpu.memory_space<vmem>>) dst(%dma_wait3A_13 : memref<64x128xf32, #tpu.memory_space<hbm>>)
      tpu.yield
    }) : () -> ()
    return
  }
}

module attributes {stable_mosaic.version = 14 : i64} {
  func.func @_tc_tail_body(%arg0: i32, %arg1: memref<2048x64x256xf32, #tpu.memory_space<any>>, %arg2: memref<128x64x256xf32, #tpu.memory_space<vmem>>, %arg3: memref<128x256xf32, #tpu.memory_space<vmem>>, %arg4: memref<128x256xf32, #tpu.memory_space<vmem>>, %arg5: memref<128x128xf32, #tpu.memory_space<vmem>>, %arg6: memref<128x64x256xf32, #tpu.memory_space<vmem>>) attributes {dimension_semantics = [#tpu.dimension_semantics<arbitrary>], iteration_bounds = array<i64: 15>, scalar_prefetch = 0 : i64, scratch_operands = 0 : i64, tpu.core_type = #tpu.core_type<tc>, window_params = [{}, {transform_indices = @transform_1, window_bounds = array<i64: 128, 64, 256>}, {transform_indices = @transform_2, window_bounds = array<i64: 128, 256>}, {transform_indices = @transform_3, window_bounds = array<i64: 128, 256>}, {transform_indices = @transform_4, window_bounds = array<i64: 128, 128>}, {transform_indices = @transform_5, window_bounds = array<i64: 128, 64, 256>}]} {
    %get3A = arith.constant 0 : index
    %get3A_0 = arith.constant 0 : index
    %get3A_1 = vector.load %arg5[%get3A, %get3A_0] : memref<128x128xf32, #tpu.memory_space<vmem>>, vector<128x128xf32>
    %slice3A = vector.extract_strided_slice %get3A_1 {offsets = [0, 0], sizes = [128, 64], strides = [1, 1]} : vector<128x128xf32> to vector<128x64xf32>
    %get3A_2 = arith.constant 0 : index
    %get3A_3 = arith.constant 0 : index
    %get3A_4 = arith.constant 0 : index
    %get3A_5 = vector.load %arg2[%get3A_2, %get3A_3, %get3A_4] : memref<128x64x256xf32, #tpu.memory_space<vmem>>, vector<128x64x256xf32>
    %get3A_6 = arith.constant 0 : index
    %get3A_7 = arith.constant 0 : index
    %get3A_8 = vector.load %arg3[%get3A_6, %get3A_7] : memref<128x256xf32, #tpu.memory_space<vmem>>, vector<128x256xf32>
    %broadcast_in_dim3A = vector.shape_cast %get3A_8 : vector<128x256xf32> to vector<128x1x256xf32>
    %add3A = vector.broadcast %broadcast_in_dim3A : vector<128x1x256xf32> to vector<128x64x256xf32>
    %add3A_9 = arith.addf %get3A_5, %add3A : vector<128x64x256xf32>
    %broadcast_in_dim3A_10 = vector.shape_cast %slice3A : vector<128x64xf32> to vector<128x64x1xf32>
    %get3A_11 = arith.constant 0 : index
    %get3A_12 = arith.constant 0 : index
    %get3A_13 = vector.load %arg4[%get3A_11, %get3A_12] : memref<128x256xf32, #tpu.memory_space<vmem>>, vector<128x256xf32>
    %broadcast_in_dim3A_14 = vector.shape_cast %get3A_13 : vector<128x256xf32> to vector<128x1x256xf32>
    %mul3A = vector.broadcast %broadcast_in_dim3A_10 : vector<128x64x1xf32> to vector<128x64x256xf32>
    %mul3A_15 = vector.broadcast %broadcast_in_dim3A_14 : vector<128x1x256xf32> to vector<128x64x256xf32>
    %mul3A_16 = arith.mulf %mul3A, %mul3A_15 : vector<128x64x256xf32>
    %add3A_17 = arith.addf %add3A_9, %mul3A_16 : vector<128x64x256xf32>
    %swap3A = arith.constant 0 : index
    %swap3A_18 = arith.constant 0 : index
    %swap3A_19 = arith.constant 0 : index
    %swap3A_20 = vector.load %arg6[%swap3A, %swap3A_18, %swap3A_19] : memref<128x64x256xf32, #tpu.memory_space<vmem>>, vector<128x64x256xf32>
    tpu.vector_store %arg6[%swap3A, %swap3A_18, %swap3A_19], %add3A_17 {strides = array<i32>} : memref<128x64x256xf32, #tpu.memory_space<vmem>>, vector<128x64x256xf32>,
    return
  }
  func.func @transform_1(%arg0: i32) -> (i32, i32, i32) {
    %add3A = arith.constant 1 : i32
    %add3A_0 = arith.addi %arg0, %add3A : i32
    %c0_i32 = arith.constant 0 : i32
    %c0_i32_1 = arith.constant 0 : i32
    %c0_i32_2 = arith.constant 0 : i32
    return %add3A_0, %c0_i32, %c0_i32_1 : i32, i32, i32
  }
  func.func @transform_2(%arg0: i32) -> (i32, i32) {
    %add3A = arith.constant 1 : i32
    %add3A_0 = arith.addi %arg0, %add3A : i32
    %c0_i32 = arith.constant 0 : i32
    %c0_i32_1 = arith.constant 0 : i32
    return %add3A_0, %c0_i32 : i32, i32
  }
  func.func @transform_3(%arg0: i32) -> (i32, i32) {
    %add3A = arith.constant 1 : i32
    %add3A_0 = arith.addi %arg0, %add3A : i32
    %c0_i32 = arith.constant 0 : i32
    %c0_i32_1 = arith.constant 0 : i32
    return %add3A_0, %c0_i32 : i32, i32
  }
  func.func @transform_4(%arg0: i32) -> (i32, i32) {
    %add3A = arith.constant 1 : i32
    %add3A_0 = arith.addi %arg0, %add3A : i32
    %c0_i32 = arith.constant 0 : i32
    %c0_i32_1 = arith.constant 0 : i32
    return %add3A_0, %c0_i32 : i32, i32
  }
  func.func @transform_5(%arg0: i32) -> (i32, i32, i32) {
    %add3A = arith.constant 1 : i32
    %add3A_0 = arith.addi %arg0, %add3A : i32
    %c0_i32 = arith.constant 0 : i32
    %c0_i32_1 = arith.constant 0 : i32
    %c0_i32_2 = arith.constant 0 : i32
    return %add3A_0, %c0_i32, %c0_i32_1 : i32, i32, i32
  }
}

module attributes {stable_mosaic.version = 14 : i64} {
  func.func @_tc_head_body(%arg0: i32, %arg1: memref<64x64xi32, #tpu.memory_space<vmem>>, %arg2: memref<128x64x256xf32, #tpu.memory_space<vmem>>, %arg3: memref<128x256xf32, #tpu.memory_space<vmem>>, %arg4: memref<128x256xf32, #tpu.memory_space<vmem>>, %arg5: memref<128x64x256xf32, #tpu.memory_space<vmem>>) attributes {dimension_semantics = [#tpu.dimension_semantics<arbitrary>], iteration_bounds = array<i64: 1>, scalar_prefetch = 0 : i64, scratch_operands = 0 : i64, tpu.core_type = #tpu.core_type<tc>, window_params = [{pipeline_mode = #tpu.pipeline_mode<synchronous>, transform_indices = @transform_0, window_bounds = array<i64: 64, 64>}, {transform_indices = @transform_1, window_bounds = array<i64: 128, 64, 256>}, {transform_indices = @transform_2, window_bounds = array<i64: 128, 256>}, {transform_indices = @transform_3, window_bounds = array<i64: 128, 256>}, {transform_indices = @transform_4, window_bounds = array<i64: 128, 64, 256>}]} {
    %iota3A = tpu.iota {dimensions = array<i32: 0>} : vector<128x1x1xi32>
    %mul3A = arith.constant 128 : i32
    %mul3A_0 = arith.muli %arg0, %mul3A : i32
    %add3A = vector.broadcast %mul3A_0 : i32 to vector<128x1x1xi32>
    %add3A_1 = arith.addi %iota3A, %add3A : vector<128x1x1xi32>
    %get3A = arith.constant 0 : index
    %get3A_2 = arith.constant 0 : index
    %get3A_3 = vector.load %arg1[%get3A, %get3A_2] : memref<64x64xi32, #tpu.memory_space<vmem>>, vector<64x64xi32>
    %broadcast_in_dim3A = vector.shape_cast %get3A_3 : vector<64x64xi32> to vector<1x64x64xi32>
    %eq3A = vector.broadcast %broadcast_in_dim3A : vector<1x64x64xi32> to vector<128x64x64xi32>
    %eq3A_4 = vector.broadcast %add3A_1 : vector<128x1x1xi32> to vector<128x64x64xi32>
    %eq3A_5 = arith.cmpi eq, %eq3A, %eq3A_4 : vector<128x64x64xi32>
    %reduce_or3A = arith.constant 1.000000e+00 : f32
    %reduce_or3A_6 = arith.constant 0.000000e+00 : f32
    %reduce_or3A_7 = vector.broadcast %reduce_or3A : f32 to vector<128x64x64xf32>
    %reduce_or3A_8 = vector.broadcast %reduce_or3A_6 : f32 to vector<128x64x64xf32>
    %reduce_or3A_9 = arith.select %eq3A_5, %reduce_or3A_7, %reduce_or3A_8 : vector<128x64x64xi1>, vector<128x64x64xf32>
    %reduce_or3A_10 = arith.constant dense<0xFF800000> : vector<128x64xf32>
    %reduce_or3A_11 = vector.multi_reduction <maximumf>, %reduce_or3A_9, %reduce_or3A_10 [2] : vector<128x64x64xf32> to vector<128x64xf32>
    %reduce_or3A_12 = arith.constant 0.000000e+00 : f32
    %reduce_or3A_13 = vector.broadcast %reduce_or3A_12 : f32 to vector<128x64xf32>
    %reduce_or3A_14 = arith.cmpf ogt, %reduce_or3A_11, %reduce_or3A_13 : vector<128x64xf32>
    %get3A_15 = arith.constant 0 : index
    %get3A_16 = arith.constant 0 : index
    %get3A_17 = arith.constant 0 : index
    %get3A_18 = vector.load %arg2[%get3A_15, %get3A_16, %get3A_17] : memref<128x64x256xf32, #tpu.memory_space<vmem>>, vector<128x64x256xf32>
    %get3A_19 = arith.constant 0 : index
    %get3A_20 = arith.constant 0 : index
    %get3A_21 = vector.load %arg3[%get3A_19, %get3A_20] : memref<128x256xf32, #tpu.memory_space<vmem>>, vector<128x256xf32>
    %broadcast_in_dim3A_22 = vector.shape_cast %get3A_21 : vector<128x256xf32> to vector<128x1x256xf32>
    %add3A_23 = vector.broadcast %broadcast_in_dim3A_22 : vector<128x1x256xf32> to vector<128x64x256xf32>
    %add3A_24 = arith.addf %get3A_18, %add3A_23 : vector<128x64x256xf32>
    %broadcast_in_dim3A_25 = vector.shape_cast %reduce_or3A_14 : vector<128x64xi1> to vector<128x64x1xi1>
    %convert_element_type3A = arith.extui %broadcast_in_dim3A_25 : vector<128x64x1xi1> to vector<128x64x1xi32>
    %convert_element_type3A_26 = arith.sitofp %convert_element_type3A : vector<128x64x1xi32> to vector<128x64x1xf32>
    %get3A_27 = arith.constant 0 : index
    %get3A_28 = arith.constant 0 : index
    %get3A_29 = vector.load %arg4[%get3A_27, %get3A_28] : memref<128x256xf32, #tpu.memory_space<vmem>>, vector<128x256xf32>
    %broadcast_in_dim3A_30 = vector.shape_cast %get3A_29 : vector<128x256xf32> to vector<128x1x256xf32>
    %mul3A_31 = vector.broadcast %convert_element_type3A_26 : vector<128x64x1xf32> to vector<128x64x256xf32>
    %mul3A_32 = vector.broadcast %broadcast_in_dim3A_30 : vector<128x1x256xf32> to vector<128x64x256xf32>
    %mul3A_33 = arith.mulf %mul3A_31, %mul3A_32 : vector<128x64x256xf32>
    %add3A_34 = arith.addf %add3A_24, %mul3A_33 : vector<128x64x256xf32>
    %swap3A = arith.constant 0 : index
    %swap3A_35 = arith.constant 0 : index
    %swap3A_36 = arith.constant 0 : index
    %swap3A_37 = vector.load %arg5[%swap3A, %swap3A_35, %swap3A_36] : memref<128x64x256xf32, #tpu.memory_space<vmem>>, vector<128x64x256xf32>
    tpu.vector_store %arg5[%swap3A, %swap3A_35, %swap3A_36], %add3A_34 {strides = array<i32>} : memref<128x64x256xf32, #tpu.memory_space<vmem>>, vector<128x64x256xf32>,
    return
  }
  func.func @transform_0(%arg0: i32) -> (i32, i32) {
    %c0_i32 = arith.constant 0 : i32
    %c0_i32_0 = arith.constant 0 : i32
    %c0_i32_1 = arith.constant 0 : i32
    return %c0_i32, %c0_i32_0 : i32, i32
  }
  func.func @transform_1(%arg0: i32) -> (i32, i32, i32) {
    %c0_i32 = arith.constant 0 : i32
    %c0_i32_0 = arith.constant 0 : i32
    %c0_i32_1 = arith.constant 0 : i32
    return %arg0, %c0_i32, %c0_i32_0 : i32, i32, i32
  }
  func.func @transform_2(%arg0: i32) -> (i32, i32) {
    %c0_i32 = arith.constant 0 : i32
    %c0_i32_0 = arith.constant 0 : i32
    return %arg0, %c0_i32 : i32, i32
  }
  func.func @transform_3(%arg0: i32) -> (i32, i32) {
    %c0_i32 = arith.constant 0 : i32
    %c0_i32_0 = arith.constant 0 : i32
    return %arg0, %c0_i32 : i32, i32
  }
  func.func @transform_4(%arg0: i32) -> (i32, i32, i32) {
    %c0_i32 = arith.constant 0 : i32
    %c0_i32_0 = arith.constant 0 : i32
    %c0_i32_1 = arith.constant 0 : i32
    return %arg0, %c0_i32, %c0_i32_0 : i32, i32, i32
  }
}

</mosaic_0001>

<sc_bundles>
// kernel: _run.5.cloned.1.call-start
scs
__scs_entry_jumppad:
0x0: {  	(pc) =	sbr.rel $0x88, $3  }
0x1: {  	(tag) =	ssettag $0x0;
	lr =	simm.s32 $0x1  }
0x2: {  	[smem:$0x3F9B] =	sst lr;
	_ =	strace $0xD0000000  }
0x3: {  	_ = 	snop  }
0x4: {  	_ = 	snop  }
0x5: {  	_ = 	snop  }
0x6: {  	_ = 	snop  }
0x7: {  	_ = 	snop  }
__scs_overlays_trampoline_lowered:
0x8: {  	[smem:$0x3FAA] =	sst s0  }
0x9: {  	[smem:$0x3FAB] =	sst s1  }
0xa: {  	[smem:$0x3FAC] =	sst s2  }
0xb: {  	[smem:$0x3FAD] =	sst s3  }
0xc: {  	[smem:$0x3FAE] =	sst s4  }
0xd: {  	[smem:$0x3FAF] =	sst s5  }
0xe: {  	[smem:$0x3FB0] =	sst s6  }
0xf: {  	[smem:$0x3FB1] =	sst s7  }
0x10: {  	[smem:$0x3FB2] =	sst s8  }
0x11: {  	[smem:$0x3FB3] =	sst s9;
	s0 =	simm.s32 @!p0 $0x0  }
0x12: {  	s1 =	sld [smem:$0x3F99];
	s0 =	simm.s32 @p0 $0x1  }
0x13: {  	[smem:$0x3FB4] =	sst s0;
	s0 =	simm.s32 @!p1 $0x0  }
0x14: {  	s2 =	sld [smem:$0x3F98];
	s0 =	simm.s32 @p1 $0x1  }
0x15: {  	[smem:$0x3FB5] =	sst s0;
	s0 =	simm.s32 @!p2 $0x0  }
0x16: {  	s3 =	sld [smem:$0x3FDB];
	s0 =	simm.s32 @p2 $0x1  }
0x17: {  	s4 =	simm.s32 $0x1BF5;
	[smem:$0x3FB7] =	sst s0  }
0x18: {  	s0 =	sld [smem:$0x3F9A];
	_ =	swait.ge [sflag:s4], $0x0  }
0x19: {  	s7 =	sld [smem:$0x3F9B]  }
0x1a: {  	s8 =	sadd.s32 $0xFFFFE003, lr  }
0x1b: {  	s9 =	sadd.s32 $0xFFFFFEF7, lr;
	s5 =	simm.s32 $0xFFFFFFFF;
	p2 =	slt.u32 s8, $0xFFFFF086  }
0x1c: {  	p1 =	slt.u32 s9, $0xF7A;
	s5 =	simm.s32 @!p2 $0x0  }
0x1d: {  	s5 =	simm.s32 @p1 $0x1;
	p0 =	seq.s32 s7, s2  }
0x1e: {  	s7 =	smul.u32 @!p0 $0xF7A, s2;
	p2 =	seq.s32 @!p0 s5, $0x0  }
0x1f: {  	s9 =	smul.u32 $0xF7A, s1;
	s8 =	simm.s32 @!p0 $0x1BF5;
	p2 =	por !p2, p0  }
0x20: {  	[sflag:s8] =	ssyncset.s32 @!p0 $0xFFFFF086;
	s6 =	sadd.s32 @!p0 s3, s7;
	s7 =	simm.s32 @!p0 $0x108  }
0x21: {  	s3 =	sadd.s32 s3, s9;
	s6 =	sadd.s32 @!p0 $0x88, s6;
	s7 =	simm.s32 @p2 $0x1082  }
0x22: {  	[simem:s7], [sflag:s8] =	dma.local @!p0 [hbm:s6], $0xF7A  }
0x23: {  	s9 =	sor.u32 $0xD0000000, s2;
	s6 =	simm.s32 $0x108;
	_ =	swait.ge @!p0 [sflag:s8], $0x0  }
0x24: {  	s3 =	sadd.s32 $0x88, s3;
	s6 =	simm.s32 @!p1 $0x1082;
	[sflag:s4] =	ssyncset.s32 $0xFFFFF086  }
0x25: {  	[simem:s6], [sflag:s4] =	dma.local [hbm:s3], $0xF7A  }
0x26: {  	[smem:$0x3F9B] =	sst s1;
	(tag) =	ssettag s2;
	_ =	strace s9  }
0x27: {  	s1 =	sld [smem:$0x3FAB]  }
0x28: {  	s2 =	sld [smem:$0x3FAC]  }
0x29: {  	s4 =	sld [smem:$0x3FAE]  }
0x2a: {  	p0 =	seq.s32 s5, $0x0;
	s5 =	sld [smem:$0x3FAF]  }
0x2b: {  	s6 =	sld [smem:$0x3FB0]  }
0x2c: {  	s7 =	sld [smem:$0x3FB1]  }
0x2d: {  	s3 =	simm.s32 $0x108;
	s8 =	sld [smem:$0x3FB2]  }
0x2e: {  	s3 =	simm.s32 @!p0 $0x1082;
	s9 =	sld [smem:$0x3FB3]  }
0x2f: {  	lr =	sadd.s32 s0, s3;
	s0 =	sld [smem:$0x3FAA]  }
0x30: {  	s3 =	sld [smem:$0x3FAD]  }
0x31: {  	[smem:$0x3FB6] =	sst s10  }
0x32: {  	s10 =	sld [smem:$0x3FB4];
	_ =	sdelay $0x3  }
0x33: {  	p0 =	seq.s32 s10, $0x1;
	s10 =	sld [smem:$0x3FB6];
	_ =	sdelay $0x3  }
0x34: {  	[smem:$0x3FB6] =	sst s10  }
0x35: {  	s10 =	sld [smem:$0x3FB5];
	_ =	sdelay $0x3  }
0x36: {  	p1 =	seq.s32 s10, $0x1;
	s10 =	sld [smem:$0x3FB6];
	_ =	sdelay $0x3  }
0x37: {  	[smem:$0x3FB6] =	sst s10  }
0x38: {  	s10 =	sld [smem:$0x3FB7]  }
0x39: {  	_ = 	snop;
	(pc) =	sbr.ind lr, $3  }
0x3a: {  	_ = 	snop  }
0x3b: {  	_ = 	snop  }
0x3c: {  	p2 =	seq.s32 s10, $0x1;
	s10 =	sld [smem:$0x3FB6]  }
0x3d: {  	_ =	shalt  }
0x3e: {  	_ =	shalt  }
0x3f: {  	_ =	shalt  }
0x40: {  	_ =	shalt  }
0x41: {  	_ =	shalt  }
0x42: {  	_ =	shalt  }
0x43: {  	_ =	shalt  }
0x44: {  	_ =	shalt  }
0x45: {  	_ =	shalt  }
0x46: {  	_ =	shalt  }
0x47: {  	_ =	shalt  }
0x48: {  	_ =	shalt  }
0x49: {  	_ =	shalt  }
0x4a: {  	_ =	shalt  }
0x4b: {  	_ =	shalt  }
0x4c: {  	_ =	shalt  }
0x4d: {  	_ =	shalt  }
0x4e: {  	_ =	shalt  }
0x4f: {  	_ =	shalt  }
0x50: {  	_ =	shalt  }
0x51: {  	_ =	shalt  }
0x52: {  	_ =	shalt  }
0x53: {  	_ =	shalt  }
0x54: {  	_ =	shalt  }
0x55: {  	_ =	shalt  }
0x56: {  	_ =	shalt  }
0x57: {  	_ =	shalt  }
0x58: {  	_ =	shalt  }
0x59: {  	_ =	shalt  }
0x5a: {  	_ =	shalt  }
0x5b: {  	_ =	shalt  }
0x5c: {  	_ =	shalt  }
0x5d: {  	_ =	shalt  }
0x5e: {  	_ =	shalt  }
0x5f: {  	_ =	shalt  }
0x60: {  	_ =	shalt  }
0x61: {  	_ =	shalt  }
0x62: {  	_ =	shalt  }
0x63: {  	_ =	shalt  }
0x64: {  	_ =	shalt  }
0x65: {  	_ =	shalt  }
0x66: {  	_ =	shalt  }
0x67: {  	_ =	shalt  }
0x68: {  	_ =	shalt  }
0x69: {  	_ =	shalt  }
0x6a: {  	_ =	shalt  }
0x6b: {  	_ =	shalt  }
0x6c: {  	_ =	shalt  }
0x6d: {  	_ =	shalt  }
0x6e: {  	_ =	shalt  }
0x6f: {  	_ =	shalt  }
0x70: {  	_ =	shalt  }
0x71: {  	_ =	shalt  }
0x72: {  	_ =	shalt  }
0x73: {  	_ =	shalt  }
0x74: {  	_ =	shalt  }
0x75: {  	_ =	shalt  }
0x76: {  	_ =	shalt  }
0x77: {  	_ =	shalt  }
0x78: {  	_ =	shalt  }
0x79: {  	_ =	shalt  }
0x7a: {  	_ =	shalt  }
0x7b: {  	_ =	shalt  }
0x7c: {  	_ =	shalt  }
0x7d: {  	_ =	shalt  }
0x7e: {  	_ =	shalt  }
0x7f: {  	_ =	shalt  }
0x80: {  	_ =	shalt  }
0x81: {  	_ =	shalt  }
0x82: {  	_ =	shalt  }
0x83: {  	_ =	shalt  }
0x84: {  	_ =	shalt  }
0x85: {  	_ =	shalt  }
0x86: {  	_ =	shalt  }
0x87: {  	_ =	shalt  }
.Lfunc_end0:
.L_simem_size_0:
called_computation_lowered:
.L_overlay_start_0:
0x88: {  	s2 =	sld [smem:$0x3FD9]  }
0x89: {  	s3 =	sld [smem:$0x3FFE];
	_ =	sdelay $0x1  }
0x8a: {  	s1 =	srdreg.scid  }
0x8b: {  	s0 =	sand.u32 $0x1, s1  }
0x8c: {  	s17 =	sshll.u32 s0, $0xA;
	s2 =	sadd.s32 s3, s2  }
0x8d: {  	s2 =	sadd.s32 s2, s17  }
0x8e: {  	[smem:$0x3FC2] =	sst s2  }
0x8f: {  	_ = 	snop  }
0x90: {  	s2 =	sld [smem:$0x3FC8]  }
0x91: {  	s18 =	sld [smem:$0x3FC7];
	(tm) =	ssettm $0x1  }
0x92: {  	s4 =	sld [smem:$0x3FFB];
	_ =	sdelay $0x3  }
0x93: {  	_ =	strace s4  }
0x94: {  	s4 =	sld [smem:$0x3FFC];
	_ =	sdelay $0x3  }
0x95: {  	_ =	strace s4  }
0x96: {  	s4 =	sld [smem:$0x3FFD];
	_ =	sdelay $0x3  }
0x97: {  	_ =	strace s4  }
0x98: {  	_ =	strace $0x8FFFFFFF  }
0x99: {  	s19 =	sld [smem:$0x3FDB];
	_ =	sdelay $0x1  }
0x9a: {  	s5 =	simm.s32 $_scs_section_size  }
0x9b: {  	s6 =	simm.s32 $_size__tile_overlayer_lowered;
	s7 =	simm.s32 $_tile_overlayer_lowered  }
0x9c: {  	s22 =	simm.s32 $0x1BFF;
	s21 =	sshll.u32 s7, $0x1;
	s4 =	sadd.s32 s5, s19  }
0x9d: {  	s8 =	simm.s32 $0x0;
	s20 =	sshll.u32 s6, $0x1;
	s6 =	sadd.s32 s21, s4  }
0x9e: {  	[timem:s8], [sflag:s22] =	dma.local [hbm:s6], s20  }
0x9f: {  	_ =	swait.ge [sflag:s22], s20  }
0xa0: {  	s5 =	ssub.s32 $0x0, s20;
	[sflag:s22] =	ssyncset.done $0x0  }
0xa1: {  	[sflag:s22] =	ssyncadd.s32 s5;
	_ =	sdelay $0x1  }
0xa2: {  	s23 =	simm.s32 $0x1B8B  }
0xa3: {  	_ =	swait.ge [sflag:s23], $0x1  }
0xa4: {  	[sflag:s23] =	ssyncset.done $0x0  }
0xa5: {  	s25 =	simm.s32 $0x1B8E;
	s24 =	sld [smem:$0x3FFE];
	[sflag:s23] =	ssyncadd.s32 $0xFFFFFFFF  }
0xa6: {  	s26 =	simm.s32 $execute0_lowered;
	[smem:$0x3FD2] =	sst s25  }
0xa7: {  	s6 =	sshll.u32 s26, $0x1;
	_ =	strace $0x80000046;
	[dreg:$0x1] =	wrdreg $0xFFFFFFFF  }
0xa8: {  	s28 =	simm.s32 $_size_execute0_lowered;
	s4 =	sadd.s32 s4, s6;
	[dreg:$0x0] =	wrdreg $0x0  }
0xa9: {  	s6 =	sshll.u32 s28, $0x1;
	[dreg:$0x2] =	wrdreg s4  }
0xaa: {  	[dreg:$0x3] =	wrdreg s6  }
0xab: {  	[dreg:$0x4] =	wrdreg $0xC0  }
0xac: {  	_ =	task [dreg:s8], $0x5FFFF  }
0xad: {  	[dreg:$0x1] =	wrdreg $0xFFFFFFFF  }
0xae: {  	[dreg:$0x0] =	wrdreg $0x60  }
0xaf: {  	[dreg:$0x2] =	wrdreg s2  }
0xb0: {  	[dreg:$0x3] =	wrdreg s18  }
0xb1: {  	[dreg:$0x4] =	wrdreg s24  }
0xb2: {  	[dreg:$0x5] =	wrdreg $0x9  }
0xb3: {  	_ =	task.clear_ibuf [dreg:s8], $0x6FFFF;
	_ =	strace $0x90000046  }
0xb4: {  	s29 =	simm.s32 $0x9;
	_ =	strace $0x80000048  }
0xb5: {  	_ =	swait.ge [sflag:s29], $0x1  }
0xb6: {  	[sflag:s29] =	ssyncadd.s32 $0xFFFFFFFF  }
0xb7: {  	_ =	strace $0x90000048  }
0xb8: {  	_ =	sfence  }
0xb9: {  	s30 =	sld [smem:$0x0];
	_ =	sdelay $0x2  }
0xba: {  	s31 =	sshll.u32 s1, $0xD;
	s1 =	sshrl.u32 s1, $0x2  }
0xbb: {  	s3 =	sand.u32 $0x4000, s31;
	s1 =	sadd.s32 s1, s30  }
0xbc: {  	s0 =	sor.u32 s3, s0;
	s1 =	sshll.u32 s1, $0x11  }
0xbd: {  	s0 =	sor.u32 s1, s0  }
0xbe: {  	s0 =	sadd.s32 $0x8F2B, s0  }
0xbf: {  	[sflag:s0] =	ssyncadd.remote.s32 $0x1  }
0xc0: {  	_ =	sfence.sel $0xFFFF  }
0xc1: {  	[dreg:$0x0] =	wrdreg $0xFFFFFFFF;
	(pc) =	sbr.abs _section_cstart, $3  }
0xc2: {  	[dreg:$0x1] =	wrdreg $0xFFFFFFFF  }
0xc3: {  	_ =	task.clear_ibuf [dreg:s8], $0x2FFFF;
	_ =	strace $0x9FFFFFFF  }
0xc4: {  	(tm) =	ssettm $0x7FFFFFFF  }
0xc5: {  	_ =	shalt  }
tec
execute0_lowered:
.L_overlay_start_1:
0x0: {  	(tag) =	ssettag $0x1  }
0x1: {  	s1 =	rddreg [dreg:$0x0]  }
0x2: {  	s3 =	rddreg [dreg:$0x1]  }
0x3: {  	s2 =	srdreg.scid;
	s0 =	stileid.u32  }
0x4: {  	s5 =	rddreg [dreg:$0x2];
	s4 =	simm.s32 $0x0;
	s10 =	simm.s32 $0x3  }
0x5: {  	s6 =	sand.u32 $0x1, s2;
	s7 =	sshll.u32 s0, $0x1;
	s2 =	rddreg [dreg:$0x3]  }
0x6: {  	s11 =	simm.s32 $0x0;
	[smem:$0x7FF] =	sst s4;
	s7 =	sor.u32 s6, s7  }
0x7: {  	s6 =	ssub.s32 $0x2, s6;
	_ =	strace $0x80000047;
	s8 =	sshll.u32 s7, $0xA  }
0x8: {  	s31 =	sshrl.u32 s6, $0x1;
	s9 =	sshll.u32 s7, $0xD;
	s7 =	simm.s32 $0x2000  }
0x9: {  	s5 =	sadd.s32 s8, s5;
	s6 =	ssub.s32 s6, s31;
	s8 =	simm.s32 $0x1  }
0xa: {  	v1 =	vimm.f32 $1.000000000e+00;
	v0 =	vmov s9;
	s9 =	simm.s32 $0x2;
	s5 =	sadd.s32 $0xE00, s5;
	s6 =	smax.u32 s6, $0x1  }
.LBB2_1:
0xb: {  	[tilespmem:s4], [sflag:$0x1] =	stream.linear.gather [hbm4b:s1+s4], $0x2000, $0x38;
	[tilespmem:$0x4000] =	vst v63  }
0xc: {  	_ = 	snop  }
0xd: {  	[tilespmem:s7], [sflag:$0x2] =	stream.linear.gather [hbm4b:s3+s4], $0x2000, $0x38;
	[tilespmem:$0x4000] =	vst v63  }
0xe: {  	_ =	swait.ge [sflag:s8], $0x2000  }
0xf: {  	[sflag:s8] =	ssyncset.done $0x0  }
0x10: {  	[sflag:s8] =	ssyncadd.s32 $0xFFFFE000  }
0x11: {  	_ =	swait.ge [sflag:s9], $0x2000  }
0x12: {  	[sflag:s9] =	ssyncset.done $0x0  }
0x13: {  	s12 =	simm.s32 $0x20;
	[sflag:s9] =	ssyncadd.s32 $0xFFFFE000  }
0x14: {  	v2 =	vld [tilespmem:s12+$0x10];
	_ =	sdelay $0x1  }
0x15: {  	v5 =	vld [tilespmem:s12+$0xFFFFFFE0];
	_ =	sdelay $0x1  }
0x16: {  	v3 =	vld [tilespmem:s12+$0xFFFFFFF0]  }
0x17: {  	v6 =	vsub.s32 v2, v0  }
0x18: {  	v4 =	vld [tilespmem:s12+$0x0];
	v2 =	vand.u32 $0x7F, v2;
	vm3 =	vlt.u32 v6, $0x2000;
	v6 =	vand.u32 $0xFFFFFF80, v6  }
0x19: {  	s13 =	simm.s32 $0xA0;
	v11 =	vor.u32 v2, v6;
	v2 =	vsub.s32 v5, v0  }
0x1a: {  	v9 =	vld [tilespmem:s13+$0x10];
	v5 =	vand.u32 $0x7F, v5;
	v7 =	vand.u32 $0xFFFFFF80, v2  }
0x1b: {  	v8 =	vsub.s32 v3, v0;
	v13 =	vand.u32 $0x7F, v3;
	v3 =	vor.u32 v5, v7;
	v7 =	vld [tilespmem:s13+$0xFFFFFFF0]  }
0x1c: {  	v6 =	vand.u32 $0xFFFFFF80, v8;
	v5 =	vld [tilespmem:s13+$0x0]  }
0x1d: {  	v10 =	vsub.s32 v4, v0;
	vm2 =	vlt.u32 v2, $0x2000;
	v2 =	vor.u32 v13, v6;
	v6 =	vld [tilespmem:s13+$0xFFFFFFE0]  }
0x1e: {  	v4 =	vand.u32 $0x7F, v4;
	v12 =	vand.u32 $0xFFFFFF80, v10;
	vm0 =	vlt.u32 v8, $0x2000  }
0x1f: {  	vm1 =	vlt.u32 v10, $0x2000;
	v8 =	vsub.s32 v9, v0;
	v4 =	vor.u32 v4, v12  }
0x20: {  	s12 =	simm.s32 $0x4;
	v9 =	vand.u32 $0x7F, v9;
	s13 =	simm.s32 $0x120;
	[tilespmem:v11+s7+$0x0] =	vst.idx.msk vm3, v1;
	vm3 =	vlt.u32 v8, $0x2000;
	v8 =	vand.u32 $0xFFFFFF80, v8  }
.LBB2_2:
0x21: {  	v10 =	vld [tilespmem:s13+$0x10];
	s12 =	sadd.s32 $0x4, s12;
	v11 =	vsub.s32 v7, v0;
	v12 =	vsub.s32 v5, v0;
	v8 =	vor.u32 v9, v8;
	v9 =	vmovc v5  }
0x22: {  	v13 =	vld [tilespmem:s13+$0xFFFFFFF0];
	p0 =	slt.u32 s12, $0xFC;
	v14 =	vsub.s32 v6, v0;
	v15 =	vand.u32 $0xFFFFFF80, v11;
	v16 =	vand.u32 $0xFFFFFF80, v12  }
.Ltmp0:
0x23: {  	v7 =	vand.u32 $0x7F, v7;
	v18 =	vand.u32 $0x7F, v6;
	v5 =	vld [tilespmem:s13+$0x0];
	v17 =	vand.u32 $0xFFFFFF80, v14;
	[tilespmem:v3+s7+$0x0] =	vst.idx.msk vm2, v1;
	(pc) =	sbr.rel @p0 .LBB2_2-.Ltmp0, $4  }
0x24: {  	v9 =	vand.u32 $0x7F, v9;
	vm2 =	vlt.u32 v14, $0x2000;
	v6 =	vld [tilespmem:s13+$0xFFFFFFE0];
	v3 =	vor.u32 v18, v17;
	[tilespmem:v2+s7+$0x0] =	vst.idx.msk vm0, v1  }
0x25: {  	vm0 =	vlt.u32 v11, $0x2000;
	v2 =	vor.u32 v7, v15;
	[tilespmem:v4+s7+$0x0] =	vst.idx.msk vm1, v1;
	vm1 =	vlt.u32 v12, $0x2000  }
0x26: {  	v4 =	vor.u32 v9, v16;
	v11 =	vsub.s32 v10, v0;
	[tilespmem:v8+s7+$0x0] =	vst.idx.msk vm3, v1  }
0x27: {  	s13 =	sadd.s32 $0x80, s13;
	v9 =	vand.u32 $0x7F, v10;
	vm3 =	vlt.u32 v11, $0x2000;
	v8 =	vand.u32 $0xFFFFFF80, v11;
	v7 =	vmovc v13  }
0x28: {  	_ =	sdelay $0x3  }
0x29: {  	v10 =	vsub.s32 v7, v0;
	v11 =	vsub.s32 v5, v0;
	v8 =	vor.u32 v9, v8  }
0x2a: {  	v62 =	vand.u32 $0x7F, v7;
	[tilespmem:v3+s7+$0x0] =	vst.idx.msk vm2, v1;
	v3 =	vand.u32 $0x7F, v5;
	v60 =	vsub.s32 v6, v0  }
0x2b: {  	v12 =	vand.u32 $0xFFFFFF80, v10;
	v13 =	vand.u32 $0xFFFFFF80, v11;
	vm5 =	vlt.u32 v10, $0x2000  }
0x2c: {  	v61 =	vand.u32 $0x7F, v6;
	vm15 =	vlt.u32 v11, $0x2000;
	v63 =	vor.u32 v62, v12  }
0x2d: {  	[tilespmem:v2+s7+$0x0] =	vst.idx.msk vm0, v1;
	v14 =	vand.u32 $0xFFFFFF80, v60;
	vm4 =	vlt.u32 v60, $0x2000;
	v2 =	vor.u32 v3, v13  }
0x2e: {  	v6 =	vor.u32 v61, v14  }
0x2f: {  	[tilespmem:v4+s7+$0x0] =	vst.idx.msk vm1, v1  }
0x30: {  	[tilespmem:v8+s7+$0x0] =	vst.idx.msk vm3, v1  }
0x31: {  	s11 =	sadd.s32 $0x1, s11;
	[tilespmem:v63+s7+$0x0] =	vst.idx.msk vm5, v1  }
0x32: {  	p0 =	sne.s32 s11, s6;
	[tilespmem:v2+s7+$0x0] =	vst.idx.msk vm15, v1  }
.Ltmp1:
0x33: {  	[tilespmem:v6+s7+$0x0] =	vst.idx.msk vm4, v1;
	(pc) =	sbr.rel @p0 .LBB2_1-.Ltmp1, $4  }
0x34: {  	[hbm4b:s5+s4] =	stream.linear.scatter [tilespmem:s7], [sflag:$0x3], $0x2000, $0x38;
	[tilespmem:$0x4000] =	vst v63  }
0x35: {  	_ =	swait.ge [sflag:s10], $0x2000  }
0x36: {  	[sflag:s10] =	ssyncset.done $0x0  }
0x37: {  	[sflag:s10] =	ssyncadd.s32 $0xFFFFE000  }
0x38: {  	_ =	sfence.sel $0x180000  }
0x39: {  	[bflag:$0x0] =	sbarrier.arrive $0xFFFF  }
0x3a: {  	p0 =	sne.s32 s0, $0x0;
	_ =	strace $0x90000047  }
0x3b: {  	s0 =	sadd.s32 @!p0 $0x100000, s2;
	[bflag:$0x2] =	sbarrier.arrive $0xFFFF  }
0x3c: {  	[sflag:s0] =	ssyncadd.tile.s32 @!p0 $0x1;
	_ =	shalt  }
.Lfunc_end2:
_tile_overlayer_lowered:
.L_overlay_start_2:
0x3d: {  	(tag) =	ssettag $0x2  }
0x3e: {  	s0 =	rddreg [dreg:$0x0];
	s2 =	stileid.u32  }
0x3f: {  	s1 =	rddreg [dreg:$0x1];
	p0 =	sne.s32 s2, $0x0  }
0x40: {  	s3 =	rddreg [dreg:$0x2];
	[bflag:$0x3] =	sbarrier.arrive $0xFFFF;
	s2 =	simm.s32 @!p0 $0x1C03  }
0x41: {  	[timem:s3], [sflag:s2] =	dma.local @!p0 [hbm:s0], s1  }
0x42: {  	s0 =	simm.s32 @!p0 $0x3  }
0x43: {  	_ =	swait.ge @!p0 [sflag:s0], s1  }
0x44: {  	s1 =	ssub.s32 @!p0 $0x0, s1;
	[sflag:s0] =	ssyncset.done @!p0 $0x0  }
0x45: {  	[sflag:s0] =	ssyncadd.s32 @!p0 s1  }
0x46: {  	[bflag:$0x3] =	sbarrier.arrive $0xFFFF  }
0x47: {  	_ =	shalt  }

</sc_bundles>
